<compile_context>
chip_gen: v7x
topology: tpu7x:2x2x1
jax: 0.10.2.dev20260603
libtpu: 0.0.44.dev20260713+nightly
codegen_flags: <defaults>
</compile_context>

<pallas_src>
import jax
import jax.numpy as jnp
from jax.experimental import pallas as pl
from jax.experimental.pallas import tpu as pltpu

_WINDOW = 33
_HALF = _WINDOW // 2
_DIL = 4
_SEQ = 2048
_SP = _SEQ // _DIL
_D = 1024
_QD = 64


def _xsum_kernel(x_ref, o_ref):
    o_ref[0, 0, :] = jnp.sum(x_ref[0], axis=0)


def _attn_kernel(x_ref, w_ref, b_ref, xsum_ref, o_ref):
    xp = x_ref[0, 0]
    w = w_ref[...]
    bias = b_ref[0]
    qkv = jnp.dot(xp, w, preferred_element_type=jnp.float32) + bias
    q = qkv[:, :_QD]
    k = qkv[:, _QD:2 * _QD]
    v = qkv[:, 2 * _QD:]

    sumv = (
        jnp.dot(xsum_ref[0], w[:, 2 * _QD:], preferred_element_type=jnp.float32)[0]
        + _SEQ * bias[2 * _QD:]
    )

    s = jnp.dot(q, k.T, preferred_element_type=jnp.float32,
                precision=jax.lax.Precision.HIGHEST)
    ii = jax.lax.broadcasted_iota(jnp.int32, (_SP, _SP), 0)
    jj = jax.lax.broadcasted_iota(jnp.int32, (_SP, _SP), 1)
    mask = jnp.abs(ii - jj) <= _HALF
    s = jnp.where(mask, s, 0.0)
    m = jnp.max(s, axis=1, keepdims=True)
    em = jnp.exp(-m)
    p = jnp.where(mask, jnp.exp(s - m) - em, 0.0)
    numer = jnp.dot(p, v, preferred_element_type=jnp.float32) + em * sumv[None, :]
    denom = jnp.sum(p, axis=1, keepdims=True) + _SEQ * em
    o_ref[0, 0] = numer / denom


def kernel(x, WQ, bQ, WK, bK, WV, bV):
    B, S, D = x.shape
    w = jnp.concatenate([WQ, WK, WV], axis=0).T
    bias = jnp.concatenate([bQ, bK, bV])[None, :]

    xsum = pl.pallas_call(
        _xsum_kernel,
        grid=(B,),
        in_specs=[pl.BlockSpec((1, S, D), lambda b: (b, 0, 0))],
        out_specs=pl.BlockSpec((1, 1, D), lambda b: (b, 0, 0)),
        out_shape=jax.ShapeDtypeStruct((B, 1, D), jnp.float32),
    )(x)

    xt = x.reshape(B, _SP, _DIL, D).transpose(0, 2, 1, 3)
    out = pl.pallas_call(
        _attn_kernel,
        grid=(B, _DIL),
        in_specs=[
            pl.BlockSpec((1, 1, _SP, D), lambda b, p: (b, p, 0, 0)),
            pl.BlockSpec((D, 3 * _QD), lambda b, p: (0, 0)),
            pl.BlockSpec((1, 3 * _QD), lambda b, p: (0, 0)),
            pl.BlockSpec((1, 1, D), lambda b, p: (b, 0, 0)),
        ],
        out_specs=pl.BlockSpec((1, 1, _SP, _QD), lambda b, p: (b, p, 0, 0)),
        out_shape=jax.ShapeDtypeStruct((B, _DIL, _SP, _QD), jnp.float32),
        compiler_params=pltpu.CompilerParams(
            dimension_semantics=("parallel", "parallel"),
        ),
    )(xt, w, bias, xsum)

    return out.transpose(0, 2, 1, 3).reshape(B, S, _QD)

# --- scband reference (transcript-rebuilt; emitter-appended) ---
"""Pipeline reference for scband-dilated-slidding-window-attention-15839839388320 (READ-ONLY COPY).

The authoritative reference and input builder live on the scoring server;
editing this copy changes nothing except your own understanding.
"""

import jax, jax.numpy as jnp
import numpy as np

WINDOW_SIZE = 33
DILATION = 4
B, S, D, QD, VD = 4, 2048, 1024, 64, 64


def setup_inputs(seed: int = 0) -> dict:
    key = jax.random.key(seed)
    ks = jax.random.split(key, 7)
    x = jax.random.normal(ks[0], (B, S, D), dtype=jnp.float32)
    sc = 1.0 / np.sqrt(D)
    WQ = jax.random.normal(ks[1], (QD, D), dtype=jnp.float32) * sc
    bQ = jax.random.normal(ks[2], (QD,), dtype=jnp.float32) * 0.01
    WK = jax.random.normal(ks[3], (QD, D), dtype=jnp.float32) * sc
    bK = jax.random.normal(ks[4], (QD,), dtype=jnp.float32) * 0.01
    WV = jax.random.normal(ks[5], (VD, D), dtype=jnp.float32) * sc
    bV = jax.random.normal(ks[6], (VD,), dtype=jnp.float32) * 0.01
    return {"x": x, "WQ": WQ, "bQ": bQ, "WK": WK, "bK": bK, "WV": WV, "bV": bV}


def _get_diagonal(n_seq, offset):
    # indices (i, j) of the `offset`-th diagonal of an n_seq x n_seq matrix
    if offset >= 0:
        i = np.arange(0, n_seq - offset)
    else:
        i = np.arange(-offset, n_seq)
    j = i + offset
    return jnp.asarray(i), jnp.asarray(j)


def reference(x, WQ, bQ, WK, bK, WV, bV):
    n_batch, n_seq, _ = x.shape
    Q = x @ WQ.T + bQ
    K = x @ WK.T + bK
    V = x @ WV.T + bV
    half = WINDOW_SIZE // 2
    columns = jnp.zeros((n_batch, n_seq, n_seq), dtype=x.dtype)
    for di in range(-abs(half), half + 1):
        dilated_di = di * DILATION
        indices_i, indices_j = _get_diagonal(n_seq, dilated_di)
        c = jnp.einsum('bid,bid->bi', Q[:, indices_i, :], K[:, indices_j, :])
        columns = columns.at[:, indices_i, indices_j].set(c)
    attn = jax.nn.softmax(columns, axis=2)
    return attn @ V

if __name__ == "__main__":
    import jax
    _d = setup_inputs()
    print(jax.jit(kernel)(*tuple(_d.values())))

</pallas_src>

<mosaic_0001>
module attributes {stable_mosaic.version = 14 : i64} {
  func.func @_xsum_kernel(%arg0: i32, %arg1: memref<1x2048x1024xf32, #tpu.memory_space<vmem>>, %arg2: memref<1x1x1024xf32, #tpu.memory_space<vmem>>) attributes {dimension_semantics = [#tpu.dimension_semantics<arbitrary>], iteration_bounds = array<i64: 4>, scalar_prefetch = 0 : i64, scratch_operands = 0 : i64, tpu.core_type = #tpu.core_type<tc>, window_params = [{transform_indices = @transform_0, window_bounds = array<i64: 1, 2048, 1024>}, {transform_indices = @transform_1, window_bounds = array<i64: 1, 1, 1024>}]} {
    %get3A = arith.constant 0 : index
    %get3A_0 = arith.constant 0 : index
    %get3A_1 = arith.constant 0 : index
    %get3A_2 = vector.load %arg1[%get3A, %get3A_0, %get3A_1] : memref<1x2048x1024xf32, #tpu.memory_space<vmem>>, vector<1x2048x1024xf32>
    %get3A_3 = vector.shape_cast %get3A_2 : vector<1x2048x1024xf32> to vector<2048x1024xf32>
    %reduce_sum3A = arith.constant dense<0.000000e+00> : vector<1024xf32>
    %reduce_sum3A_4 = vector.multi_reduction <add>, %get3A_3, %reduce_sum3A [0] : vector<2048x1024xf32> to vector<1024xf32>
    %swap3A = arith.constant 0 : index
    %swap3A_5 = arith.constant 0 : index
    %swap3A_6 = arith.constant 0 : index
    %swap3A_7 = vector.load %arg2[%swap3A, %swap3A_5, %swap3A_6] : memref<1x1x1024xf32, #tpu.memory_space<vmem>>, vector<1x1x1024xf32>
    %swap3A_8 = vector.shape_cast %swap3A_7 : vector<1x1x1024xf32> to vector<1024xf32>
    %swap3A_9 = vector.shape_cast %reduce_sum3A_4 : vector<1024xf32> to vector<1x1x1024xf32>
    tpu.vector_store %arg2[%swap3A, %swap3A_5, %swap3A_6], %swap3A_9 {strides = array<i32>} : memref<1x1x1024xf32, #tpu.memory_space<vmem>>, vector<1x1x1024xf32>,
    return
  }
  func.func @transform_0(%arg0: i32) -> (i32, i32, i32) {
    %c0_i32 = arith.constant 0 : i32
    %c0_i32_0 = arith.constant 0 : i32
    %c0_i32_1 = arith.constant 0 : i32
    return %arg0, %c0_i32, %c0_i32_0 : i32, i32, i32
  }
  func.func @transform_1(%arg0: i32) -> (i32, i32, i32) {
    %c0_i32 = arith.constant 0 : i32
    %c0_i32_0 = arith.constant 0 : i32
    %c0_i32_1 = arith.constant 0 : i32
    return %arg0, %c0_i32, %c0_i32_0 : i32, i32, i32
  }
}

module attributes {stable_mosaic.version = 14 : i64} {
  func.func @_attn_kernel(%arg0: i32, %arg1: i32, %arg2: memref<1x1x512x1024xf32, #tpu.memory_space<vmem>>, %arg3: memref<1024x192xf32, #tpu.memory_space<vmem>>, %arg4: memref<1x192xf32, #tpu.memory_space<vmem>>, %arg5: memref<1x1x1024xf32, #tpu.memory_space<vmem>>, %arg6: memref<1x1x512x64xf32, #tpu.memory_space<vmem>>) attributes {dimension_semantics = [#tpu.dimension_semantics<parallel>, #tpu.dimension_semantics<parallel>], iteration_bounds = array<i64: 4, 4>, scalar_prefetch = 0 : i64, scratch_operands = 0 : i64, tpu.core_type = #tpu.core_type<tc>, window_params = [{transform_indices = @transform_0, window_bounds = array<i64: 1, 1, 512, 1024>}, {pipeline_mode = #tpu.pipeline_mode<synchronous>, transform_indices = @transform_1, window_bounds = array<i64: 1024, 192>}, {pipeline_mode = #tpu.pipeline_mode<synchronous>, transform_indices = @transform_2, window_bounds = array<i64: 1, 192>}, {transform_indices = @transform_3, window_bounds = array<i64: 1, 1, 1024>}, {transform_indices = @transform_4, window_bounds = array<i64: 1, 1, 512, 64>}]} {
    %get3A = arith.constant 0 : index
    %get3A_0 = arith.constant 0 : index
    %get3A_1 = arith.constant 0 : index
    %get3A_2 = arith.constant 0 : index
    %get3A_3 = vector.load %arg2[%get3A, %get3A_0, %get3A_1, %get3A_2] : memref<1x1x512x1024xf32, #tpu.memory_space<vmem>>, vector<1x1x512x1024xf32>
    %get3A_4 = vector.shape_cast %get3A_3 : vector<1x1x512x1024xf32> to vector<512x1024xf32>
    %get3A_5 = arith.constant 0 : index
    %get3A_6 = arith.constant 0 : index
    %get3A_7 = vector.load %arg3[%get3A_5, %get3A_6] : memref<1024x192xf32, #tpu.memory_space<vmem>>, vector<1024x192xf32>
    %get3A_8 = arith.constant 0 : index
    %get3A_9 = arith.constant 0 : index
    %get3A_10 = vector.load %arg4[%get3A_8, %get3A_9] : memref<1x192xf32, #tpu.memory_space<vmem>>, vector<1x192xf32>
    %get3A_11 = vector.shape_cast %get3A_10 : vector<1x192xf32> to vector<192xf32>
    %dot_general3A = arith.constant dense<0.000000e+00> : vector<512x192xf32>
    %dot_general3A_12 = tpu.matmul %get3A_4, %get3A_7, %dot_general3A {dimension_numbers = #tpu.dot_dimension_numbers<[1], [0], [0], [1], [0, 0, 1, 1], [], []>, transpose_lhs_hint = false} : vector<512x1024xf32>, vector<1024x192xf32>, vector<512x192xf32> -> vector<512x192xf32>
    %broadcast_in_dim3A = vector.shape_cast %get3A_11 : vector<192xf32> to vector<1x192xf32>
    %add3A = vector.broadcast %broadcast_in_dim3A : vector<1x192xf32> to vector<512x192xf32>
    %add3A_13 = arith.addf %dot_general3A_12, %add3A : vector<512x192xf32>
    %slice3A = vector.extract_strided_slice %add3A_13 {offsets = [0, 0], sizes = [512, 64], strides = [1, 1]} : vector<512x192xf32> to vector<512x64xf32>
    %slice3A_14 = vector.extract_strided_slice %add3A_13 {offsets = [0, 64], sizes = [512, 64], strides = [1, 1]} : vector<512x192xf32> to vector<512x64xf32>
    %slice3A_15 = vector.extract_strided_slice %add3A_13 {offsets = [0, 128], sizes = [512, 64], strides = [1, 1]} : vector<512x192xf32> to vector<512x64xf32>
    %get3A_16 = arith.constant 0 : index
    %get3A_17 = arith.constant 0 : index
    %get3A_18 = arith.constant 0 : index
    %get3A_19 = vector.load %arg5[%get3A_16, %get3A_17, %get3A_18] : memref<1x1x1024xf32, #tpu.memory_space<vmem>>, vector<1x1x1024xf32>
    %get3A_20 = vector.shape_cast %get3A_19 : vector<1x1x1024xf32> to vector<1x1024xf32>
    %slice3A_21 = vector.extract_strided_slice %get3A_7 {offsets = [0, 128], sizes = [1024, 64], strides = [1, 1]} : vector<1024x192xf32> to vector<1024x64xf32>
    %dot_general3A_22 = arith.constant dense<0.000000e+00> : vector<1x64xf32>
    %dot_general3A_23 = tpu.matmul %get3A_20, %slice3A_21, %dot_general3A_22 {dimension_numbers = #tpu.dot_dimension_numbers<[1], [0], [0], [1], [0, 0, 1, 1], [], []>, transpose_lhs_hint = false} : vector<1x1024xf32>, vector<1024x64xf32>, vector<1x64xf32> -> vector<1x64xf32>
    %squeeze3A = vector.shape_cast %dot_general3A_23 : vector<1x64xf32> to vector<64xf32>
    %slice3A_24 = vector.extract_strided_slice %get3A_11 {offsets = [128], sizes = [64], strides = [1]} : vector<192xf32> to vector<64xf32>
    %mul3A = arith.constant 2.048000e+03 : f32
    %mul3A_25 = vector.broadcast %mul3A : f32 to vector<64xf32>
    %mul3A_26 = arith.mulf %mul3A_25, %slice3A_24 : vector<64xf32>
    %add3A_27 = arith.addf %squeeze3A, %mul3A_26 : vector<64xf32>
    %transpose3A = tpu.transpose %slice3A_14, [1, 0] : vector<512x64xf32> -> vector<64x512xf32>
    %dot_general3A_28 = arith.constant dense<0.000000e+00> : vector<512x512xf32>
    %dot_general3A_29 = tpu.matmul %slice3A, %transpose3A, %dot_general3A_28 {dimension_numbers = #tpu.dot_dimension_numbers<[1], [0], [0], [1], [0, 0, 1, 1], [], []>, precision = #tpu.contract_precision<fp32>, transpose_lhs_hint = false} : vector<512x64xf32>, vector<64x512xf32>, vector<512x512xf32> -> vector<512x512xf32>
    %iota3A = tpu.iota {dimensions = array<i32: 0>} : vector<512x512xi32>
    %iota3A_30 = tpu.iota {dimensions = array<i32: 1>} : vector<512x512xi32>
    %sub3A = arith.subi %iota3A, %iota3A_30 : vector<512x512xi32>
    %abs3A = math.absi %sub3A : vector<512x512xi32>
    %le3A = arith.constant 16 : i32
    %le3A_31 = vector.broadcast %le3A : i32 to vector<512x512xi32>
    %le3A_32 = arith.cmpi sle, %abs3A, %le3A_31 : vector<512x512xi32>
    %jit3A = arith.constant 0.000000e+00 : f32
    %broadcast_in_dim3A_33 = vector.broadcast %jit3A : f32 to vector<512x512xf32>
    %select_n3A = arith.select %le3A_32, %dot_general3A_29, %broadcast_in_dim3A_33 : vector<512x512xi1>, vector<512x512xf32>
    %reduce_max3A = arith.constant dense<0xFF800000> : vector<512xf32>
    %reduce_max3A_34 = vector.multi_reduction <maximumf>, %select_n3A, %reduce_max3A [1] : vector<512x512xf32> to vector<512xf32>
    %broadcast_in_dim3A_35 = vector.shape_cast %reduce_max3A_34 : vector<512xf32> to vector<512x1xf32>
    %neg3A = arith.constant 0.000000e+00 : f32
    %neg3A_36 = vector.broadcast %neg3A : f32 to vector<512x1xf32>
    %neg3A_37 = arith.subf %neg3A_36, %broadcast_in_dim3A_35 : vector<512x1xf32>
    %exp3A = math.exp %neg3A_37 : vector<512x1xf32>
    %sub3A_38 = vector.broadcast %broadcast_in_dim3A_35 : vector<512x1xf32> to vector<512x512xf32>
    %sub3A_39 = arith.subf %select_n3A, %sub3A_38 : vector<512x512xf32>
    %exp3A_40 = math.exp %sub3A_39 : vector<512x512xf32>
    %sub3A_41 = vector.broadcast %exp3A : vector<512x1xf32> to vector<512x512xf32>
    %sub3A_42 = arith.subf %exp3A_40, %sub3A_41 : vector<512x512xf32>
    %jit3A_43 = arith.constant 0.000000e+00 : f32
    %broadcast_in_dim3A_44 = vector.broadcast %jit3A_43 : f32 to vector<512x512xf32>
    %select_n3A_45 = arith.select %le3A_32, %sub3A_42, %broadcast_in_dim3A_44 : vector<512x512xi1>, vector<512x512xf32>
    %dot_general3A_46 = arith.constant dense<0.000000e+00> : vector<512x64xf32>
    %dot_general3A_47 = tpu.matmul %select_n3A_45, %slice3A_15, %dot_general3A_46 {dimension_numbers = #tpu.dot_dimension_numbers<[1], [0], [0], [1], [0, 0, 1, 1], [], []>, transpose_lhs_hint = false} : vector<512x512xf32>, vector<512x64xf32>, vector<512x64xf32> -> vector<512x64xf32>
    %broadcast_in_dim3A_48 = vector.shape_cast %add3A_27 : vector<64xf32> to vector<1x64xf32>
    %mul3A_49 = vector.broadcast %exp3A : vector<512x1xf32> to vector<512x64xf32>
    %mul3A_50 = vector.broadcast %broadcast_in_dim3A_48 : vector<1x64xf32> to vector<512x64xf32>
    %mul3A_51 = arith.mulf %mul3A_49, %mul3A_50 : vector<512x64xf32>
    %add3A_52 = arith.addf %dot_general3A_47, %mul3A_51 : vector<512x64xf32>
    %reduce_sum3A = arith.constant dense<0.000000e+00> : vector<512xf32>
    %reduce_sum3A_53 = vector.multi_reduction <add>, %select_n3A_45, %reduce_sum3A [1] : vector<512x512xf32> to vector<512xf32>
    %broadcast_in_dim3A_54 = vector.shape_cast %reduce_sum3A_53 : vector<512xf32> to vector<512x1xf32>
    %mul3A_55 = arith.constant 2.048000e+03 : f32
    %mul3A_56 = vector.broadcast %mul3A_55 : f32 to vector<512x1xf32>
    %mul3A_57 = arith.mulf %mul3A_56, %exp3A : vector<512x1xf32>
    %add3A_58 = arith.addf %broadcast_in_dim3A_54, %mul3A_57 : vector<512x1xf32>
    %div3A = vector.broadcast %add3A_58 : vector<512x1xf32> to vector<512x64xf32>
    %div3A_59 = arith.divf %add3A_52, %div3A : vector<512x64xf32>
    %swap3A = arith.constant 0 : index
    %swap3A_60 = arith.constant 0 : index
    %swap3A_61 = arith.constant 0 : index
    %swap3A_62 = arith.constant 0 : index
    %swap3A_63 = vector.load %arg6[%swap3A, %swap3A_60, %swap3A_61, %swap3A_62] : memref<1x1x512x64xf32, #tpu.memory_space<vmem>>, vector<1x1x512x64xf32>
    %swap3A_64 = vector.shape_cast %swap3A_63 : vector<1x1x512x64xf32> to vector<512x64xf32>
    %swap3A_65 = vector.shape_cast %div3A_59 : vector<512x64xf32> to vector<1x1x512x64xf32>
    tpu.vector_store %arg6[%swap3A, %swap3A_60, %swap3A_61, %swap3A_62], %swap3A_65 {strides = array<i32>} : memref<1x1x512x64xf32, #tpu.memory_space<vmem>>, vector<1x1x512x64xf32>,
    return
  }
  func.func @transform_0(%arg0: i32, %arg1: i32) -> (i32, i32, i32, i32) {
    %c0_i32 = arith.constant 0 : i32
    %c0_i32_0 = arith.constant 0 : i32
    %c0_i32_1 = arith.constant 0 : i32
    return %arg0, %arg1, %c0_i32, %c0_i32_0 : i32, i32, i32, i32
  }
  func.func @transform_1(%arg0: i32, %arg1: i32) -> (i32, i32) {
    %c0_i32 = arith.constant 0 : i32
    %c0_i32_0 = arith.constant 0 : i32
    %c0_i32_1 = arith.constant 0 : i32
    return %c0_i32, %c0_i32_0 : i32, i32
  }
  func.func @transform_2(%arg0: i32, %arg1: i32) -> (i32, i32) {
    %c0_i32 = arith.constant 0 : i32
    %c0_i32_0 = arith.constant 0 : i32
    %c0_i32_1 = arith.constant 0 : i32
    return %c0_i32, %c0_i32_0 : i32, i32
  }
  func.func @transform_3(%arg0: i32, %arg1: i32) -> (i32, i32, i32) {
    %c0_i32 = arith.constant 0 : i32
    %c0_i32_0 = arith.constant 0 : i32
    %c0_i32_1 = arith.constant 0 : i32
    return %arg0, %c0_i32, %c0_i32_0 : i32, i32, i32
  }
  func.func @transform_4(%arg0: i32, %arg1: i32) -> (i32, i32, i32, i32) {
    %c0_i32 = arith.constant 0 : i32
    %c0_i32_0 = arith.constant 0 : i32
    %c0_i32_1 = arith.constant 0 : i32
    return %arg0, %arg1, %c0_i32, %c0_i32_0 : i32, i32, i32, i32
  }
}

</mosaic_0001>

<sc_bundles>
// kernel: sparse-core-data-format-call.cloned.1.call-start
scs
called_computation_lowered:
.L_overlay_start_0:
0x0: {  	s1 =	sld [smem:$0x3FD9]  }
0x1: {  	s2 =	sld [smem:$0x3FFE];
	_ =	sdelay $0x1  }
0x2: {  	s3 =	srdreg.scid  }
0x3: {  	s0 =	sand.u32 $0x1, s3  }
0x4: {  	s17 =	sshll.u32 s0, $0xA;
	s1 =	sadd.s32 s2, s1  }
0x5: {  	s1 =	sadd.s32 s1, s17  }
0x6: {  	[smem:$0x3FC1] =	sst s1  }
0x7: {  	_ = 	snop  }
0x8: {  	(tm) =	ssettm $0x1  }
0x9: {  	s18 =	sld [smem:$0x3FFB];
	_ =	sdelay $0x3  }
0xa: {  	_ =	strace s18  }
0xb: {  	s1 =	sld [smem:$0x3FFC];
	_ =	sdelay $0x3  }
0xc: {  	_ =	strace s1  }
0xd: {  	s1 =	sld [smem:$0x3FFD];
	_ =	sdelay $0x3  }
0xe: {  	_ =	strace s1  }
0xf: {  	_ =	strace $0x8FFFFFFF  }
0x10: {  	s19 =	sld [smem:$0x3FDB];
	_ =	sdelay $0x1  }
0x11: {  	s20 =	simm.s32 $_scs_section_size  }
0x12: {  	s4 =	simm.s32 $_size__tile_overlayer_lowered;
	s5 =	simm.s32 $_tile_overlayer_lowered  }
0x13: {  	s23 =	simm.s32 $0x1BFF;
	s22 =	sshll.u32 s5, $0x1;
	s1 =	sadd.s32 s20, s19  }
0x14: {  	s6 =	simm.s32 $0x0;
	s21 =	sshll.u32 s4, $0x1;
	s4 =	sadd.s32 s22, s1  }
0x15: {  	[timem:s6], [sflag:s23] =	dma.local [hbm:s4], s21  }
0x16: {  	_ =	swait.ge [sflag:s23], s21  }
0x17: {  	s2 =	ssub.s32 $0x0, s21;
	[sflag:s23] =	ssyncset.done $0x0  }
0x18: {  	[sflag:s23] =	ssyncadd.s32 s2;
	_ =	sdelay $0x1  }
0x19: {  	s24 =	simm.s32 $0x1B8B  }
0x1a: {  	_ =	swait.ge [sflag:s24], $0x1  }
0x1b: {  	[sflag:s24] =	ssyncset.done $0x0  }
0x1c: {  	s26 =	simm.s32 $0x1B8E;
	s25 =	sld [smem:$0x3FFE];
	[sflag:s24] =	ssyncadd.s32 $0xFFFFFFFF  }
0x1d: {  	s27 =	simm.s32 $execute0_lowered;
	[smem:$0x3FD2] =	sst s26  }
0x1e: {  	s4 =	sshll.u32 s27, $0x1;
	_ =	strace $0x80000046;
	[dreg:$0x1] =	wrdreg $0xFFFFFFFF  }
0x1f: {  	s28 =	simm.s32 $_size_execute0_lowered;
	s1 =	sadd.s32 s1, s4;
	[dreg:$0x0] =	wrdreg $0x0  }
0x20: {  	s4 =	sshll.u32 s28, $0x1;
	[dreg:$0x2] =	wrdreg s1  }
0x21: {  	[dreg:$0x3] =	wrdreg s4  }
0x22: {  	[dreg:$0x4] =	wrdreg $0xC0  }
0x23: {  	_ =	task [dreg:s6], $0x5FFFF  }
0x24: {  	[dreg:$0x1] =	wrdreg $0xFFFFFFFF  }
0x25: {  	[dreg:$0x0] =	wrdreg $0x60  }
0x26: {  	[dreg:$0x2] =	wrdreg s25  }
0x27: {  	[dreg:$0x3] =	wrdreg $0x9  }
0x28: {  	_ =	task.clear_ibuf [dreg:s6], $0x4FFFF;
	_ =	strace $0x90000046  }
0x29: {  	s29 =	simm.s32 $0x9;
	_ =	strace $0x80000048  }
0x2a: {  	_ =	swait.ge [sflag:s29], $0x1  }
0x2b: {  	[sflag:s29] =	ssyncadd.s32 $0xFFFFFFFF  }
0x2c: {  	_ =	strace $0x90000048  }
0x2d: {  	_ =	sfence  }
0x2e: {  	s30 =	sld [smem:$0x0];
	_ =	sdelay $0x2  }
0x2f: {  	s31 =	sshll.u32 s3, $0xD;
	s3 =	sshrl.u32 s3, $0x2  }
0x30: {  	s2 =	sand.u32 $0x4000, s31;
	s1 =	sadd.s32 s3, s30  }
0x31: {  	s0 =	sor.u32 s2, s0;
	s1 =	sshll.u32 s1, $0x11  }
0x32: {  	s0 =	sor.u32 s1, s0  }
0x33: {  	s0 =	sadd.s32 $0x8F2B, s0  }
0x34: {  	[sflag:s0] =	ssyncadd.remote.s32 $0x1  }
0x35: {  	_ =	sfence.sel $0xFFFF  }
0x36: {  	[dreg:$0x0] =	wrdreg $0xFFFFFFFF;
	(pc) =	sbr.abs _section_cstart, $3  }
0x37: {  	[dreg:$0x1] =	wrdreg $0xFFFFFFFF  }
0x38: {  	_ =	task.clear_ibuf [dreg:s6], $0x2FFFF;
	_ =	strace $0x9FFFFFFF  }
0x39: {  	(tm) =	ssettm $0x7FFFFFFF  }
tec
execute0_lowered:
.L_overlay_start_1:
0x0: {  	(tag) =	ssettag $0x1  }
0x1: {  	s0 =	srdreg.scid;
	s4 =	rddreg [dreg:$0x0];
	s6 =	simm.s32 $0x1  }
0x2: {  	s31 =	simm.s32 $0x2;
	s15 =	simm.s32 $0x0;
	s1 =	sshll.u32 s0, $0x4  }
0x3: {  	s8 =	simm.s32 $0x200000;
	s0 =	stileid.u32;
	s1 =	sand.u32 $0x10, s1  }
0x4: {  	s9 =	simm.s32 $0x0;
	s16 =	simm.s32 $0x0;
	s1 =	sor.u32 s0, s1  }
0x5: {  	s17 =	simm.s32 $0x0;
	s18 =	simm.s32 $0x0;
	s2 =	sshll.u32 s1, $0x3  }
0x6: {  	s10 =	simm.s32 $0x0;
	s11 =	simm.s32 $0x0;
	s5 =	ssub.s32 $0x200, s2  }
0x7: {  	s12 =	simm.s32 $0x0;
	s14 =	simm.s32 $0x0;
	s3 =	sand.u32 $0xF8, s5  }
.Ltmp0:
0x8: {  	s1 =	rddreg [dreg:$0x1];
	p0 =	sne.s32 s3, $0x0;
	(pc) =	sbr.rel .LBB1_1-.Ltmp0, $4  }
0x9: {  	_ =	strace $0x80000047;
	s7 =	sshrl.u32 s5, $0x8;
	s6 =	simm.s32 @!p0 $0x0  }
0xa: {  	s13 =	smov.u32 s2;
	s5 =	simm.s32 $0x1;
	s6 =	sadd.s32 s6, s7  }
0xb: {  	s3 =	sadd.s32 $0x1000, s4;
	[sflag:s5] =	ssyncpa.u1 $0x0;
	s6 =	sshll.u32 s6, $0x3  }
0xc: {  	s4 =	sadd.s32 $0x101000, s4;
	[sflag:s31] =	ssyncpa.u1 $0x0;
	s7 =	sor.u32 $0x1, s6  }
.LBB1_7:
0xd: {  	s19 =	sadd.s32 $0x200, s10  }
0xe: {  	s15 =	sadd.s32 $0x4, s11;
	s20 =	smov.u32 s11;
	p1 =	sgt.s32 s19, $0x3FF  }
0xf: {  	s20 =	smov.u32 @p1 s15  }
0x10: {  	s15 =	simm.s32 $0x1;
	p2 =	sgt.s32 s20, $0x3  }
0x11: {  	s15 =	simm.s32 @!p2 $0x0  }
0x12: {  	s21 =	sadd.s32 s15, s12  }
0x13: {  	s22 =	smov.u32 s13;
	s15 =	sadd.s32 $0x100, s13;
	p3 =	sgt.s32 s21, $0x3  }
0x14: {  	p0 =	slt.u32 s14, $0x2;
	s22 =	smov.u32 @p3 s15  }
0x15: {  	s16 =	smov.u32 s11;
	s19 =	simm.s32 @p1 $0x0;
	p1 =	sgt.s32 s22, $0x1FF  }
0x16: {  	s23 =	simm.s32 @!p0 $0x2;
	s22 =	smov.u32 @p1 s2;
	p1 =	sne.s32 s14, s7  }
.Ltmp1:
0x17: {  	s17 =	smov.u32 s12;
	_ =	swait.ge @!p0 [sflag:s23], $0x4000;
	(pc) =	sbr.rel @!p1 .LBB1_8-.Ltmp1, $4  }
0x18: {  	s18 =	smov.u32 s13;
	[sflag:s23] =	ssyncset.done @!p0 $0x0;
	s20 =	simm.s32 @p2 $0x0  }
0x19: {  	s9 =	sadd.s32 $0x4000, s9;
	[sflag:s23] =	ssyncadd.s32 @!p0 $0xFFFFC000;
	s11 =	smov.u32 s20  }
0x1a: {  	s21 =	simm.s32 @p3 $0x0;
	s15 =	smov.u32 s10;
	s10 =	smov.u32 s19  }
0x1b: {  	s12 =	smov.u32 s21;
	s14 =	sadd.s32 $0x1, s14;
	s13 =	smov.u32 s22  }
.LBB1_1:
0x1c: {  	p0 =	sge.u32 s14, s6  }
0x1d: {  	s31 =	sadd.s32 $0xFFFFFFFF, s14;
	s19 =	sxor.u32 @!p0 $0xFFFFFFFF, s14;
	s20 =	sshll.u32 @!p0 s11, $0x7  }
0x1e: {  	s21 =	sand.u32 @!p0 $0x78, s10;
	s22 =	sshll.u32 @!p0 s10, $0x2;
	s23 =	sshrl.u32 @!p0 s10, $0x1  }
0x1f: {  	s20 =	sand.u32 @!p0 $0x180, s20;
	s19 =	sshll.u32 @!p0 s19, $0xE;
	s22 =	sand.u32 @!p0 $0x200, s22  }
0x20: {  	s23 =	sand.u32 @!p0 $0x180, s23;
	s20 =	sor.u32 @!p0 s20, s21;
	s21 =	sshll.u32 @!p0 s13, $0xB  }
0x21: {  	s20 =	sor.u32 @!p0 s22, s20;
	s22 =	sshll.u32 @!p0 s12, $0x9;
	s21 =	sadd.s32 @!p0 s3, s21  }
0x22: {  	s19 =	sand.u32 @!p0 $0x4000, s19;
	s21 =	sadd.s32 @!p0 s22, s21;
	s22 =	sand.u32 @!p0 $0x7, s10  }
0x23: {  	s20 =	sshrl.u32 @!p0 s20, $0x3;
	s21 =	sadd.s32 @!p0 s23, s21;
	s22 =	sshll.u32 @!p0 s22, $0x12  }
0x24: {  	s20 =	sadd.s32 @!p0 s20, s21;
	s21 =	sor.u32 @!p0 $0x800, s22;
	s22 =	simm.s32 @!p0 $0x4000  }
0x25: {  	[tilespmem:s19], [sflag:$0x1] =	stream.strided.gather @!p0 [hbm4b:s20+s21], $0x4000, s22, s21, $0x38;
	[tilespmem:$0x10000] =	vst v63  }
0x26: {  	p0 =	sge.u32 s31, s6  }
.Ltmp2:
0x27: {  	_ = 	snop;
	(pc) =	sbr.rel @p0 .LBB1_7-.Ltmp2, $1  }
0x28: {  	_ =	sdelay $0x3  }
0x29: {  	s19 =	sshll.u32 s9, $0x2;
	_ =	swait.ge [sflag:s5], $0x4000;
	s31 =	sshll.u32 s14, $0xE  }
0x2a: {  	s23 =	simm.s32 $0x0;
	s24 =	simm.s32 $0x0;
	s19 =	sand.u32 $0x10000, s19  }
0x2b: {  	s25 =	simm.s32 $0x0;
	[sflag:s5] =	ssyncset.done $0x0;
	s22 =	sshrl.u32 s19, $0x2  }
0x2c: {  	s19 =	sand.u32 $0x4000, s31;
	[sflag:s5] =	ssyncadd.s32 $0xFFFFC000;
	s20 =	sor.u32 $0x400, s22  }
0x2d: {  	s21 =	sor.u32 $0x8000, s22;
	s19 =	sor.u32 $0x8000, s19;
	s22 =	sadd.s32 $0x8C00, s22  }
.LBB1_3:
0x2e: {  	v0 =	vmov s21;
	v1 =	vld [tilespmem:s20+$0x270]  }
0x2f: {  	v2 =	vld [tilespmem:s20+$0xFFFFFC10]  }
0x30: {  	v3 =	vld [tilespmem:s20+$0xFFFFFC20]  }
0x31: {  	s26 =	sshll.u32 s24, $0x2;
	s27 =	sand.u32 $0x3, s23;
	v4 =	vld [tilespmem:s20+$0xFFFFFC30]  }
0x32: {  	v5 =	vld [tilespmem:s20+$0xFFFFFC40];
	s28 =	sand.u32 $0xFFFFF800, s26;
	s27 =	sshll.u32 s27, $0x9;
	s26 =	simm.s32 $0x0  }
0x33: {  	v6 =	vld [tilespmem:s20+$0xFFFFFC50];
	s27 =	sor.u32 s27, s28;
	[tilespmem:v0+s26+$0xC70 ss:$0x1] =	vst.idx.msk $0xffff, v1  }
0x34: {  	v7 =	vld [tilespmem:s20+$0x220];
	s27 =	sshrl.u32 s27, $0x2;
	[tilespmem:v0+s26+$0x10 ss:$0x1] =	vst.idx.msk $0xffff, v2  }
0x35: {  	v8 =	vld [tilespmem:s20+$0x230];
	s27 =	sadd.s32 s27, s22;
	[tilespmem:v0+s26+$0x20 ss:$0x1] =	vst.idx.msk $0xffff, v3  }
0x36: {  	v1 =	vmov s27;
	[tilespmem:v0+s26+$0x30 ss:$0x1] =	vst.idx.msk $0xffff, v4;
	v4 =	vld [tilespmem:s20+$0xFFFFFE00]  }
0x37: {  	[tilespmem:v0+s26+$0x40 ss:$0x1] =	vst.idx.msk $0xffff, v5;
	v5 =	vld [tilespmem:s20+$0xFFFFFE10]  }
0x38: {  	[tilespmem:v0+s26+$0x50 ss:$0x1] =	vst.idx.msk $0xffff, v6;
	v6 =	vld [tilespmem:s20+$0xFFFFFE20]  }
0x39: {  	v2 =	vld [tilespmem:s20+$0xFFFFFC60];
	[tilespmem:v0+s26+$0xC20 ss:$0x1] =	vst.idx.msk $0xffff, v7  }
0x3a: {  	v3 =	vld [tilespmem:s20+$0xFFFFFC70];
	[tilespmem:v0+s26+$0xC30 ss:$0x1] =	vst.idx.msk $0xffff, v8  }
0x3b: {  	[tilespmem:v1+s26+$0xFFFFF800 ss:$0x1] =	vst.idx.msk $0xffff, v4;
	v4 =	vld [tilespmem:s20+$0xFFFFFE50]  }
0x3c: {  	[tilespmem:v0+s26+$0x410 ss:$0x1] =	vst.idx.msk $0xffff, v5;
	v5 =	vld [tilespmem:s20+$0xFFFFFE60]  }
0x3d: {  	[tilespmem:v0+s26+$0x420 ss:$0x1] =	vst.idx.msk $0xffff, v6;
	v6 =	vld [tilespmem:s20+$0xFFFFFE70]  }
0x3e: {  	[tilespmem:v0+s26+$0x60 ss:$0x1] =	vst.idx.msk $0xffff, v2;
	v2 =	vld [tilespmem:s20+$0xFFFFFE30]  }
0x3f: {  	[tilespmem:v0+s26+$0x70 ss:$0x1] =	vst.idx.msk $0xffff, v3;
	v3 =	vld [tilespmem:s20+$0xFFFFFE40]  }
0x40: {  	[tilespmem:v0+s26+$0x450 ss:$0x1] =	vst.idx.msk $0xffff, v4;
	v4 =	vld [tilespmem:s20+$0x20]  }
0x41: {  	[tilespmem:v0+s26+$0x460 ss:$0x1] =	vst.idx.msk $0xffff, v5;
	v5 =	vld [tilespmem:s20+$0x30]  }
0x42: {  	[tilespmem:v0+s26+$0x470 ss:$0x1] =	vst.idx.msk $0xffff, v6;
	v6 =	vld [tilespmem:s20+$0x40]  }
0x43: {  	[tilespmem:v0+s26+$0x430 ss:$0x1] =	vst.idx.msk $0xffff, v2;
	v2 =	vld [tilespmem:s20+$0x0]  }
0x44: {  	[tilespmem:v0+s26+$0x440 ss:$0x1] =	vst.idx.msk $0xffff, v3;
	v3 =	vld [tilespmem:s20+$0x10]  }
0x45: {  	[tilespmem:v0+s26+$0x820 ss:$0x1] =	vst.idx.msk $0xffff, v4;
	v4 =	vld [tilespmem:s20+$0x70]  }
0x46: {  	[tilespmem:v0+s26+$0x830 ss:$0x1] =	vst.idx.msk $0xffff, v5;
	v5 =	vld [tilespmem:s20+$0x200]  }
0x47: {  	[tilespmem:v0+s26+$0x840 ss:$0x1] =	vst.idx.msk $0xffff, v6;
	v6 =	vld [tilespmem:s20+$0x210]  }
0x48: {  	[tilespmem:v1+s26+$0xFFFFFC00 ss:$0x1] =	vst.idx.msk $0xffff, v2;
	v2 =	vld [tilespmem:s20+$0x50]  }
0x49: {  	[tilespmem:v0+s26+$0x810 ss:$0x1] =	vst.idx.msk $0xffff, v3;
	v3 =	vld [tilespmem:s20+$0x60]  }
0x4a: {  	[tilespmem:v0+s26+$0x870 ss:$0x1] =	vst.idx.msk $0xffff, v4;
	v4 =	vld [tilespmem:s20+$0x240]  }
0x4b: {  	[tilespmem:v1+s26+$0x0 ss:$0x1] =	vst.idx.msk $0xffff, v5;
	v5 =	vld [tilespmem:s20+$0x250]  }
0x4c: {  	[tilespmem:v0+s26+$0xC10 ss:$0x1] =	vst.idx.msk $0xffff, v6;
	v6 =	vld [tilespmem:s20+$0x260]  }
0x4d: {  	s27 =	sadd.s32 $0x80, s20;
	[tilespmem:v0+s26+$0x850 ss:$0x1] =	vst.idx.msk $0xffff, v2;
	v2 =	vld [tilespmem:s20+$0xFFFFFC00]  }
0x4e: {  	s29 =	simm.s32 $0x8000;
	s28 =	simm.s32 $0x4000;
	[tilespmem:v0+s26+$0x860 ss:$0x1] =	vst.idx.msk $0xffff, v3;
	v3 =	vld [tilespmem:s27+$0x270]  }
.LBB1_4:
0x4f: {  	p0 =	sne.s32 s29, $0xC000;
	v7 =	vld [tilespmem:s27+$0xFFFFFC10];
	[tilespmem:v0+s26+$0xC40 ss:$0x1] =	vst.idx.msk $0xffff, v4  }
0x50: {  	v4 =	vld [tilespmem:s27+$0xFFFFFC20];
	[tilespmem:v0+s26+$0xC50 ss:$0x1] =	vst.idx.msk $0xffff, v5  }
0x51: {  	v5 =	vld [tilespmem:s27+$0xFFFFFC30];
	[tilespmem:v0+s26+$0xC60 ss:$0x1] =	vst.idx.msk $0xffff, v6  }
0x52: {  	v6 =	vld [tilespmem:s27+$0xFFFFFC40];
	[tilespmem:v0+s26+$0x0 ss:$0x1] =	vst.idx.msk $0xffff, v2;
	s26 =	sshra.s32 s28, $0x2;
	s28 =	smov.u32 s29  }
0x53: {  	v2 =	vld [tilespmem:s27+$0xFFFFFC50];
	[tilespmem:v0+s26+$0xC70 ss:$0x1] =	vst.idx.msk $0xffff, v3  }
0x54: {  	[tilespmem:v0+s26+$0x10 ss:$0x1] =	vst.idx.msk $0xffff, v7;
	v3 =	vld [tilespmem:s27+$0xFFFFFC60]  }
0x55: {  	[tilespmem:v0+s26+$0x20 ss:$0x1] =	vst.idx.msk $0xffff, v4;
	v4 =	vld [tilespmem:s27+$0xFFFFFC70]  }
0x56: {  	[tilespmem:v0+s26+$0x30 ss:$0x1] =	vst.idx.msk $0xffff, v5;
	v5 =	vld [tilespmem:s27+$0xFFFFFE00]  }
0x57: {  	[tilespmem:v0+s26+$0x40 ss:$0x1] =	vst.idx.msk $0xffff, v6;
	v6 =	vld [tilespmem:s27+$0xFFFFFE10]  }
0x58: {  	[tilespmem:v0+s26+$0x50 ss:$0x1] =	vst.idx.msk $0xffff, v2;
	v2 =	vld [tilespmem:s27+$0xFFFFFE20]  }
0x59: {  	[tilespmem:v0+s26+$0x60 ss:$0x1] =	vst.idx.msk $0xffff, v3;
	v3 =	vld [tilespmem:s27+$0xFFFFFE30]  }
0x5a: {  	[tilespmem:v0+s26+$0x70 ss:$0x1] =	vst.idx.msk $0xffff, v4;
	v4 =	vld [tilespmem:s27+$0xFFFFFE40]  }
0x5b: {  	[tilespmem:v1+s26+$0xFFFFF800 ss:$0x1] =	vst.idx.msk $0xffff, v5;
	v5 =	vld [tilespmem:s27+$0xFFFFFE50]  }
0x5c: {  	[tilespmem:v0+s26+$0x410 ss:$0x1] =	vst.idx.msk $0xffff, v6;
	v6 =	vld [tilespmem:s27+$0xFFFFFE60]  }
0x5d: {  	[tilespmem:v0+s26+$0x420 ss:$0x1] =	vst.idx.msk $0xffff, v2;
	v2 =	vld [tilespmem:s27+$0xFFFFFE70]  }
0x5e: {  	[tilespmem:v0+s26+$0x430 ss:$0x1] =	vst.idx.msk $0xffff, v3;
	v3 =	vld [tilespmem:s27+$0x0]  }
0x5f: {  	[tilespmem:v0+s26+$0x440 ss:$0x1] =	vst.idx.msk $0xffff, v4;
	v4 =	vld [tilespmem:s27+$0x10]  }
0x60: {  	[tilespmem:v0+s26+$0x450 ss:$0x1] =	vst.idx.msk $0xffff, v5;
	v5 =	vld [tilespmem:s27+$0x20]  }
0x61: {  	[tilespmem:v0+s26+$0x460 ss:$0x1] =	vst.idx.msk $0xffff, v6;
	v6 =	vld [tilespmem:s27+$0x30]  }
0x62: {  	[tilespmem:v0+s26+$0x470 ss:$0x1] =	vst.idx.msk $0xffff, v2;
	v2 =	vld [tilespmem:s27+$0x40]  }
0x63: {  	[tilespmem:v1+s26+$0xFFFFFC00 ss:$0x1] =	vst.idx.msk $0xffff, v3;
	v3 =	vld [tilespmem:s27+$0x50]  }
0x64: {  	[tilespmem:v0+s26+$0x810 ss:$0x1] =	vst.idx.msk $0xffff, v4;
	v4 =	vld [tilespmem:s27+$0x60]  }
0x65: {  	[tilespmem:v0+s26+$0x820 ss:$0x1] =	vst.idx.msk $0xffff, v5;
	v5 =	vld [tilespmem:s27+$0x70]  }
0x66: {  	[tilespmem:v0+s26+$0x830 ss:$0x1] =	vst.idx.msk $0xffff, v6;
	v6 =	vld [tilespmem:s27+$0x200]  }
0x67: {  	[tilespmem:v0+s26+$0x840 ss:$0x1] =	vst.idx.msk $0xffff, v2;
	v2 =	vld [tilespmem:s27+$0x210]  }
0x68: {  	[tilespmem:v0+s26+$0x850 ss:$0x1] =	vst.idx.msk $0xffff, v3;
	v3 =	vld [tilespmem:s27+$0x220]  }
0x69: {  	[tilespmem:v0+s26+$0x860 ss:$0x1] =	vst.idx.msk $0xffff, v4;
	v7 =	vld [tilespmem:s27+$0x230]  }
.Ltmp3:
0x6a: {  	[tilespmem:v0+s26+$0x870 ss:$0x1] =	vst.idx.msk $0xffff, v5;
	v4 =	vld [tilespmem:s27+$0x240];
	(pc) =	sbr.rel @p0 .LBB1_4-.Ltmp3, $4  }
0x6b: {  	[tilespmem:v1+s26+$0x0 ss:$0x1] =	vst.idx.msk $0xffff, v6;
	v5 =	vld [tilespmem:s27+$0x250]  }
0x6c: {  	[tilespmem:v0+s26+$0xC10 ss:$0x1] =	vst.idx.msk $0xffff, v2;
	v6 =	vld [tilespmem:s27+$0x260]  }
0x6d: {  	v2 =	vld [tilespmem:s27+$0xFFFFFC00];
	[tilespmem:v0+s26+$0xC20 ss:$0x1] =	vst.idx.msk $0xffff, v3;
	s27 =	sadd.s32 $0x80, s27  }
0x6e: {  	s29 =	sadd.s32 $0x4000, s29;
	v3 =	vld [tilespmem:s27+$0x270];
	[tilespmem:v0+s26+$0xC30 ss:$0x1] =	vst.idx.msk $0xffff, v7  }
0x6f: {  	_ =	sdelay $0x3  }
0x70: {  	v7 =	vld [tilespmem:s27+$0xFFFFFC10];
	[tilespmem:v0+s26+$0xC40 ss:$0x1] =	vst.idx.msk $0xffff, v4  }
0x71: {  	v34 =	vld [tilespmem:s27+$0xFFFFFC20];
	[tilespmem:v0+s26+$0xC50 ss:$0x1] =	vst.idx.msk $0xffff, v5  }
0x72: {  	v35 =	vld [tilespmem:s27+$0xFFFFFC30];
	[tilespmem:v0+s26+$0xC60 ss:$0x1] =	vst.idx.msk $0xffff, v6  }
0x73: {  	s28 =	sshra.s32 s28, $0x2;
	v36 =	vld [tilespmem:s27+$0xFFFFFC40];
	[tilespmem:v0+s26+$0x0 ss:$0x1] =	vst.idx.msk $0xffff, v2  }
0x74: {  	v37 =	vld [tilespmem:s27+$0xFFFFFC50];
	[tilespmem:v0+s28+$0xC70 ss:$0x1] =	vst.idx.msk $0xffff, v3  }
0x75: {  	v38 =	vld [tilespmem:s27+$0xFFFFFC60];
	[tilespmem:v0+s28+$0x10 ss:$0x1] =	vst.idx.msk $0xffff, v7  }
0x76: {  	v39 =	vld [tilespmem:s27+$0xFFFFFC70];
	[tilespmem:v0+s28+$0x20 ss:$0x1] =	vst.idx.msk $0xffff, v34  }
0x77: {  	v40 =	vld [tilespmem:s27+$0xFFFFFE00];
	[tilespmem:v0+s28+$0x30 ss:$0x1] =	vst.idx.msk $0xffff, v35  }
0x78: {  	v41 =	vld [tilespmem:s27+$0xFFFFFE10];
	[tilespmem:v0+s28+$0x40 ss:$0x1] =	vst.idx.msk $0xffff, v36  }
0x79: {  	v42 =	vld [tilespmem:s27+$0xFFFFFE20];
	[tilespmem:v0+s28+$0x50 ss:$0x1] =	vst.idx.msk $0xffff, v37  }
0x7a: {  	v43 =	vld [tilespmem:s27+$0xFFFFFE30];
	[tilespmem:v0+s28+$0x60 ss:$0x1] =	vst.idx.msk $0xffff, v38  }
0x7b: {  	v44 =	vld [tilespmem:s27+$0xFFFFFE40];
	[tilespmem:v0+s28+$0x70 ss:$0x1] =	vst.idx.msk $0xffff, v39  }
0x7c: {  	v45 =	vld [tilespmem:s27+$0xFFFFFE50];
	[tilespmem:v1+s28+$0xFFFFF800 ss:$0x1] =	vst.idx.msk $0xffff, v40  }
0x7d: {  	v46 =	vld [tilespmem:s27+$0xFFFFFE60];
	[tilespmem:v0+s28+$0x410 ss:$0x1] =	vst.idx.msk $0xffff, v41  }
0x7e: {  	v47 =	vld [tilespmem:s27+$0xFFFFFE70];
	[tilespmem:v0+s28+$0x420 ss:$0x1] =	vst.idx.msk $0xffff, v42  }
0x7f: {  	v48 =	vld [tilespmem:s27+$0x0];
	[tilespmem:v0+s28+$0x430 ss:$0x1] =	vst.idx.msk $0xffff, v43  }
0x80: {  	v49 =	vld [tilespmem:s27+$0x10];
	[tilespmem:v0+s28+$0x440 ss:$0x1] =	vst.idx.msk $0xffff, v44  }
0x81: {  	v50 =	vld [tilespmem:s27+$0x20];
	[tilespmem:v0+s28+$0x450 ss:$0x1] =	vst.idx.msk $0xffff, v45  }
0x82: {  	v51 =	vld [tilespmem:s27+$0x30];
	[tilespmem:v0+s28+$0x460 ss:$0x1] =	vst.idx.msk $0xffff, v46  }
0x83: {  	v52 =	vld [tilespmem:s27+$0x40];
	[tilespmem:v0+s28+$0x470 ss:$0x1] =	vst.idx.msk $0xffff, v47  }
0x84: {  	v53 =	vld [tilespmem:s27+$0x50];
	[tilespmem:v1+s28+$0xFFFFFC00 ss:$0x1] =	vst.idx.msk $0xffff, v48  }
0x85: {  	v54 =	vld [tilespmem:s27+$0x60];
	[tilespmem:v0+s28+$0x810 ss:$0x1] =	vst.idx.msk $0xffff, v49  }
0x86: {  	v55 =	vld [tilespmem:s27+$0x70];
	[tilespmem:v0+s28+$0x820 ss:$0x1] =	vst.idx.msk $0xffff, v50  }
0x87: {  	v56 =	vld [tilespmem:s27+$0x200];
	[tilespmem:v0+s28+$0x830 ss:$0x1] =	vst.idx.msk $0xffff, v51  }
0x88: {  	v57 =	vld [tilespmem:s27+$0x210];
	[tilespmem:v0+s28+$0x840 ss:$0x1] =	vst.idx.msk $0xffff, v52  }
0x89: {  	v58 =	vld [tilespmem:s27+$0x220];
	[tilespmem:v0+s28+$0x850 ss:$0x1] =	vst.idx.msk $0xffff, v53  }
0x8a: {  	v59 =	vld [tilespmem:s27+$0x230];
	[tilespmem:v0+s28+$0x860 ss:$0x1] =	vst.idx.msk $0xffff, v54  }
0x8b: {  	v60 =	vld [tilespmem:s27+$0x240];
	[tilespmem:v0+s28+$0x870 ss:$0x1] =	vst.idx.msk $0xffff, v55  }
0x8c: {  	v61 =	vld [tilespmem:s27+$0x250];
	[tilespmem:v1+s28+$0x0 ss:$0x1] =	vst.idx.msk $0xffff, v56  }
0x8d: {  	v62 =	vld [tilespmem:s27+$0x260];
	s25 =	sadd.s32 $0x1, s25;
	[tilespmem:v0+s28+$0xC10 ss:$0x1] =	vst.idx.msk $0xffff, v57  }
0x8e: {  	v63 =	vld [tilespmem:s27+$0xFFFFFC00];
	p0 =	sne.s32 s25, $0x8;
	[tilespmem:v0+s28+$0xC20 ss:$0x1] =	vst.idx.msk $0xffff, v58  }
.Ltmp4:
0x8f: {  	[tilespmem:v0+s28+$0xC30 ss:$0x1] =	vst.idx.msk $0xffff, v59;
	(pc) =	sbr.rel @p0 .LBB1_3-.Ltmp4, $4  }
0x90: {  	[tilespmem:v0+s28+$0xC40 ss:$0x1] =	vst.idx.msk $0xffff, v60  }
0x91: {  	[tilespmem:v0+s28+$0xC50 ss:$0x1] =	vst.idx.msk $0xffff, v61  }
0x92: {  	s20 =	sadd.s32 $0x800, s20;
	[tilespmem:v0+s28+$0xC60 ss:$0x1] =	vst.idx.msk $0xffff, v62  }
0x93: {  	s24 =	sadd.s32 $0x80, s24;
	s23 =	sadd.s32 $0x1, s23;
	s21 =	sadd.s32 $0x80, s21;
	[tilespmem:v0+s28+$0x0 ss:$0x1] =	vst.idx.msk $0xffff, v63  }
0x94: {  	s18 =	sshll.u32 s18, $0x7  }
0x95: {  	s20 =	sand.u32 $0x78, s15;
	s17 =	sshll.u32 s17, $0x10;
	s16 =	sshll.u32 s16, $0x12  }
0x96: {  	s30 =	sand.u32 $0x7, s15;
	s21 =	sand.u32 $0x380, s18;
	s18 =	sand.u32 $0xFC00, s18  }
.Ltmp5:
0x97: {  	s17 =	sadd.s32 s4, s17;
	s20 =	sor.u32 s21, s20;
	(pc) =	sbr.rel .LBB1_7-.Ltmp5, $4  }
0x98: {  	s18 =	sadd.s32 s15, s18;
	s16 =	sadd.s32 s16, s17;
	s20 =	sshrl.u32 s20, $0x3  }
0x99: {  	s15 =	sshll.u32 s30, $0x12;
	s31 =	sand.u32 $0xFF80, s18;
	s16 =	sadd.s32 s20, s16  }
0x9a: {  	s15 =	sor.u32 $0x1000, s15;
	s16 =	sadd.s32 s31, s16  }
0x9b: {  	[hbm4b:s16+s15] =	stream.strided.scatter [tilespmem:s19], [sflag:$0x2], $0x4000, s8, s15, $0x38;
	[tilespmem:$0x10000] =	vst v63  }
.LBB1_8:
0x9c: {  	_ =	sfence.sel $0x180000  }
0x9d: {  	s2 =	simm.s32 $0x1;
	[bflag:$0x0] =	sbarrier.arrive $0xFFFF  }
0x9e: {  	s31 =	simm.s32 $0x2;
	[sflag:s2] =	ssyncpa.u1 $0x1  }
0x9f: {  	[sflag:s31] =	ssyncpa.u1 $0x1  }
0xa0: {  	p0 =	sne.s32 s0, $0x0;
	_ =	strace $0x90000047  }
0xa1: {  	s0 =	sadd.s32 @!p0 $0x100000, s1;
	[bflag:$0x2] =	sbarrier.arrive $0xFFFF  }
0xa2: {  	[sflag:s0] =	ssyncadd.tile.s32 @!p0 $0x1;
	_ =	shalt  }
.Lfunc_end1:
_tile_overlayer_lowered:
.L_overlay_start_2:
0xa3: {  	(tag) =	ssettag $0x2  }
0xa4: {  	s0 =	rddreg [dreg:$0x0];
	s2 =	stileid.u32  }
0xa5: {  	s1 =	rddreg [dreg:$0x1];
	p0 =	sne.s32 s2, $0x0  }
0xa6: {  	s3 =	rddreg [dreg:$0x2];
	[bflag:$0x3] =	sbarrier.arrive $0xFFFF;
	s2 =	simm.s32 @!p0 $0x1C01  }
0xa7: {  	[timem:s3], [sflag:s2] =	dma.local @!p0 [hbm:s0], s1  }
0xa8: {  	s0 =	simm.s32 @!p0 $0x1  }
0xa9: {  	_ =	swait.ge @!p0 [sflag:s0], s1  }
0xaa: {  	s1 =	ssub.s32 @!p0 $0x0, s1;
	[sflag:s0] =	ssyncset.done @!p0 $0x0  }
0xab: {  	[sflag:s0] =	ssyncadd.s32 @!p0 s1  }
0xac: {  	[bflag:$0x3] =	sbarrier.arrive $0xFFFF  }
0xad: {  	_ =	shalt  }

</sc_bundles>
